<compile_context>
chip_gen: v7x
topology: tpu7x:2x2x1
jax: 0.10.2.dev20260603
libtpu: 0.0.44.dev20260713+nightly
codegen_flags: <defaults>
</compile_context>

<pallas_src>
import functools

import jax
import jax.numpy as jnp
import numpy as np
from jax import lax
from jax.experimental import pallas as pl
from jax.experimental.pallas import tpu as pltpu
from jax.experimental.pallas import tpu_sc as plsc

_NUM_GROUP = 4
_NTAU = 50
_N = 1048576
_L = 16
_INFO = plsc.get_sparse_core_info()
_NC = _INFO.num_cores
_NS = _INFO.num_subcores
_NW = _NC * _NS
_CHUNK = _N // _NW
_UNROLL = 8
_CNT_SHIFT = 18

_TAUS_PAD = np.full((64,), 2.0, dtype=np.float32)
_TAUS_PAD[0] = -1.0
_TAUS_PAD[1:_NTAU + 1] = np.arange(0.0, 1.0, 0.02).astype(np.float32)


@functools.partial(
    pl.kernel,
    out_type=jax.ShapeDtypeStruct((_NW, 64), jnp.int32),
    mesh=plsc.VectorSubcoreMesh(core_axis_name="c", subcore_axis_name="s"),
    compiler_params=pltpu.CompilerParams(needs_layout_passes=False),
    scratch_types=[
        pltpu.VMEM((_CHUNK,), jnp.float32),
        pltpu.VMEM((_CHUNK,), jnp.int32),
        pltpu.VMEM((64,), jnp.float32),
        pltpu.VMEM((64,), jnp.int32),
        pltpu.SemaphoreType.DMA,
        pltpu.SemaphoreType.DMA,
    ],
)
def _spdd_sc(pred_hbm, group_hbm, tau_hbm, out_hbm, pred_v, grp_v, tau_v, acc_v,
             sem_p, sem_g):
    wid = lax.axis_index("s") * _NC + lax.axis_index("c")
    base = wid * _CHUNK
    cp_p = pltpu.async_copy(pred_hbm.at[pl.ds(base, _CHUNK)], pred_v, sem_p)
    cp_g = pltpu.async_copy(group_hbm.at[pl.ds(base, _CHUNK)], grp_v, sem_g)
    pltpu.sync_copy(tau_hbm, tau_v)

    zeros16 = jnp.zeros((_L,), jnp.int32)
    for j in range(64 // _L):
        acc_v[pl.ds(j * _L, _L)] = zeros16
    cp_p.wait()
    cp_g.wait()
    plsc.subcore_barrier()

    lane = lax.iota(jnp.int32, _L)
    pack_one = jnp.full((_L,), 1 << _CNT_SHIFT, jnp.int32)

    @plsc.parallel_loop(0, _CHUNK // _L, 1, unroll=_UNROLL)
    def _(i):
        off = i * _L
        p = pred_v[pl.ds(off, _L)]
        g = grp_v[pl.ds(off, _L)]
        k0 = (p * 50.0).astype(jnp.int32)
        t0 = plsc.load_gather(tau_v, [k0 + 1])
        t1 = plsc.load_gather(tau_v, [k0 + 2])
        c = k0 + jnp.where(p > t0, 1, 0) + jnp.where(p > t1, 1, 0)
        idx = (g << 4) + lane
        plsc.addupdate_scatter(acc_v, [idx], c + pack_one)

    plsc.subcore_barrier()
    pltpu.sync_copy(acc_v, out_hbm.at[wid])


def kernel(pred, target, group):
    del target
    parts = _spdd_sc(pred, group, jnp.asarray(_TAUS_PAD))
    parts = parts.reshape(_NW, _NUM_GROUP, _L)
    csum = (parts & ((1 << _CNT_SHIFT) - 1)).sum(axis=(0, 2))
    cnt = (parts >> _CNT_SHIFT).sum(axis=(0, 2))
    c_tot = csum.astype(jnp.float32)
    n_tot = cnt.astype(jnp.float32)
    par = c_tot / (n_tot + 1e-10) / np.float32(_NTAU)
    iu, ju = np.triu_indices(_NUM_GROUP, 1)
    disp = jnp.abs(par[iu] - par[ju])
    return (disp.mean(), disp.max())

# --- scband reference (transcript-rebuilt; emitter-appended) ---
"""Pipeline reference for scband-spdd-12378095747666 (READ-ONLY COPY).

The authoritative reference and input builder live on the scoring server;
editing this copy changes nothing except your own understanding.
"""

import jax, jax.numpy as jnp
import numpy as np

NUM_CLASS = 2
NUM_GROUP = 4
INTERVAL = 0.02
N = 1048576


def setup_inputs(seed: int = 0) -> dict:
    key = jax.random.key(seed)
    k1, k2, k3 = jax.random.split(key, 3)
    pred = jax.random.uniform(k1, (N,), dtype=jnp.float32)
    target = jax.random.randint(k2, (N,), 0, 2, dtype=jnp.int32)
    group = jax.random.randint(k3, (N,), 0, NUM_GROUP, dtype=jnp.int32)
    return {"pred": pred, "target": target, "group": group}


def _binary_confusion_matrix(pred_binary, target, weights):
    # cm[i, j] = (weighted) count of elements with target == i and pred == j.
    # Weights are the group-membership mask, so this equals the confusion
    # matrix computed on only the group's elements (as in the torch original).
    idx = target * 2 + pred_binary
    cm = jnp.zeros((4,), dtype=jnp.float32).at[idx].add(weights)
    return cm.reshape(2, 2)


def reference(pred, target, group):
    taus = np.arange(0.0, 1.0, INTERVAL)
    target_i = target.astype(jnp.int32)
    parities = []
    for g in range(NUM_GROUP):
        mask = (group == g).astype(jnp.float32)
        group_parity_tau = []
        for tau in taus:
            pred_binary = jnp.where(pred > tau, 1, 0).astype(jnp.int32)
            cm = _binary_confusion_matrix(pred_binary, target_i, mask)
            fp_tp = cm[0, 1] + cm[1, 1]
            tn_fp_fn_tp = cm[0, 0] + cm[0, 1] + cm[1, 0] + cm[1, 1]
            group_parity_tau.append(fp_tp / (tn_fp_fn_tp + 1e-10))
        parities.append(jnp.stack(group_parity_tau).mean())
    disparities = []
    for i in range(NUM_GROUP - 1):
        for j in range(i + 1, NUM_GROUP):
            disparities.append(jnp.abs(parities[i] - parities[j]))
    disparities = jnp.stack(disparities)
    return (disparities.mean(), disparities.max())

if __name__ == "__main__":
    import jax
    _d = setup_inputs()
    print(jax.jit(kernel)(*tuple(_d.values())))

</pallas_src>

<mosaic_0001>
#map = affine_map<(d0, d1) -> (0)>
#map1 = affine_map<(d0, d1) -> (0, 0)>
module attributes {stable_mosaic.version = 14 : i64} {
  func.func @_spdd_sc(%arg0: i32, %arg1: i32, %arg2: memref<1048576xf32, #tpu.memory_space<hbm>>, %arg3: memref<1048576xi32, #tpu.memory_space<hbm>>, %arg4: memref<64xf32, #tpu.memory_space<hbm>>, %arg5: memref<32x64xi32, #tpu.memory_space<hbm>>, %arg6: memref<32768xf32, #tpu.memory_space<vmem>>, %arg7: memref<32768xi32, #tpu.memory_space<vmem>>, %arg8: memref<64xf32, #tpu.memory_space<vmem>>, %arg9: memref<64xi32, #tpu.memory_space<vmem>>, %arg10: memref<!tpu.dma_semaphore, #tpu.memory_space<semaphore_mem>>, %arg11: memref<!tpu.dma_semaphore, #tpu.memory_space<semaphore_mem>>) attributes {dimension_semantics = [#tpu.dimension_semantics<core_parallel>, #tpu.dimension_semantics<subcore_parallel>], iteration_bounds = array<i64: 2, 16>, scalar_prefetch = 0 : i64, scratch_operands = 6 : i64, tpu.core_type = #tpu.core_type<sc_vector_subcore>, window_params = [{transform_indices = #map}, {transform_indices = #map}, {transform_indices = #map}, {transform_indices = #map1}]} {
    %mul3A = arith.constant 2 : i32
    %mul3A_0 = arith.muli %arg1, %mul3A : i32
    %add3A = arith.addi %mul3A_0, %arg0 : i32
    %mul3A_1 = arith.constant 32768 : i32
    %mul3A_2 = arith.muli %add3A, %mul3A_1 : i32
    %dma_start3A = tpu.memref_slice %arg2[%mul3A_2] : memref<1048576xf32, #tpu.memory_space<hbm>> -> memref<32768xf32, #tpu.memory_space<hbm>>
    %dma_start3A_3 = tpu.memref_slice %arg2[%mul3A_2] : memref<1048576xf32, #tpu.memory_space<hbm>> -> memref<32768xf32, #tpu.memory_space<hbm>>
    tpu.enqueue_dma source(%dma_start3A_3 : memref<32768xf32, #tpu.memory_space<hbm>>) target(%arg6 : memref<32768xf32, #tpu.memory_space<vmem>>) target_semaphore(%arg10 : memref<!tpu.dma_semaphore, #tpu.memory_space<semaphore_mem>>)
    %dma_start3A_4 = tpu.memref_slice %arg3[%mul3A_2] : memref<1048576xi32, #tpu.memory_space<hbm>> -> memref<32768xi32, #tpu.memory_space<hbm>>
    %dma_start3A_5 = tpu.memref_slice %arg3[%mul3A_2] : memref<1048576xi32, #tpu.memory_space<hbm>> -> memref<32768xi32, #tpu.memory_space<hbm>>
    tpu.enqueue_dma source(%dma_start3A_5 : memref<32768xi32, #tpu.memory_space<hbm>>) target(%arg7 : memref<32768xi32, #tpu.memory_space<vmem>>) target_semaphore(%arg11 : memref<!tpu.dma_semaphore, #tpu.memory_space<semaphore_mem>>)
    "tpu.region"() ({
      %run_scoped3A = tpu.sem_alloc : memref<!tpu.dma_semaphore, #tpu.memory_space<semaphore_mem>>
      tpu.enqueue_dma source(%arg4 : memref<64xf32, #tpu.memory_space<hbm>>) target(%arg8 : memref<64xf32, #tpu.memory_space<vmem>>) target_semaphore(%run_scoped3A : memref<!tpu.dma_semaphore, #tpu.memory_space<semaphore_mem>>)
      tpu.wait_dma2 semaphore(%run_scoped3A : memref<!tpu.dma_semaphore, #tpu.memory_space<semaphore_mem>>) src(%arg4 : memref<64xf32, #tpu.memory_space<hbm>>) dst(%arg8 : memref<64xf32, #tpu.memory_space<vmem>>)
      tpu.yield
    }) : () -> ()
    %broadcast_in_dim3A = arith.constant 0 : i32
    %broadcast_in_dim3A_6 = vector.broadcast %broadcast_in_dim3A : i32 to vector<16xi32>
    %swap3A = arith.constant 0 : index
    %swap3A_7 = tpu.vector_load %arg9[%swap3A] {strides = array<i32>} : memref<64xi32, #tpu.memory_space<vmem>>, vector<16xi32>,
    tpu.vector_store %arg9[%swap3A], %broadcast_in_dim3A_6 {strides = array<i32>} : memref<64xi32, #tpu.memory_space<vmem>>, vector<16xi32>,
    %swap3A_8 = arith.constant 16 : index
    %swap3A_9 = tpu.vector_load %arg9[%swap3A_8] {strides = array<i32>} : memref<64xi32, #tpu.memory_space<vmem>>, vector<16xi32>,
    tpu.vector_store %arg9[%swap3A_8], %broadcast_in_dim3A_6 {strides = array<i32>} : memref<64xi32, #tpu.memory_space<vmem>>, vector<16xi32>,
    %swap3A_10 = arith.constant 32 : index
    %swap3A_11 = tpu.vector_load %arg9[%swap3A_10] {strides = array<i32>} : memref<64xi32, #tpu.memory_space<vmem>>, vector<16xi32>,
    tpu.vector_store %arg9[%swap3A_10], %broadcast_in_dim3A_6 {strides = array<i32>} : memref<64xi32, #tpu.memory_space<vmem>>, vector<16xi32>,
    %swap3A_12 = arith.constant 48 : index
    %swap3A_13 = tpu.vector_load %arg9[%swap3A_12] {strides = array<i32>} : memref<64xi32, #tpu.memory_space<vmem>>, vector<16xi32>,
    tpu.vector_store %arg9[%swap3A_12], %broadcast_in_dim3A_6 {strides = array<i32>} : memref<64xi32, #tpu.memory_space<vmem>>, vector<16xi32>,
    %dma_wait3A = tpu.memref_slice %arg2[%mul3A_2] : memref<1048576xf32, #tpu.memory_space<hbm>> -> memref<32768xf32, #tpu.memory_space<hbm>>
    %dma_wait3A_14 = tpu.memref_slice %arg2[%mul3A_2] : memref<1048576xf32, #tpu.memory_space<hbm>> -> memref<32768xf32, #tpu.memory_space<hbm>>
    tpu.wait_dma2 semaphore(%arg10 : memref<!tpu.dma_semaphore, #tpu.memory_space<semaphore_mem>>) src(%dma_wait3A_14 : memref<32768xf32, #tpu.memory_space<hbm>>) dst(%arg6 : memref<32768xf32, #tpu.memory_space<vmem>>)
    %dma_wait3A_15 = tpu.memref_slice %arg3[%mul3A_2] : memref<1048576xi32, #tpu.memory_space<hbm>> -> memref<32768xi32, #tpu.memory_space<hbm>>
    %dma_wait3A_16 = tpu.memref_slice %arg3[%mul3A_2] : memref<1048576xi32, #tpu.memory_space<hbm>> -> memref<32768xi32, #tpu.memory_space<hbm>>
    tpu.wait_dma2 semaphore(%arg11 : memref<!tpu.dma_semaphore, #tpu.memory_space<semaphore_mem>>) src(%dma_wait3A_16 : memref<32768xi32, #tpu.memory_space<hbm>>) dst(%arg7 : memref<32768xi32, #tpu.memory_space<vmem>>)
    %barrier3A = arith.constant 0 : index
    tpu.barrier barrier_id(%barrier3A)
    %iota3A = tpu.iota {dimensions = array<i32: 0>} : vector<16xi32>
    %broadcast_in_dim3A_17 = arith.constant 262144 : i32
    %broadcast_in_dim3A_18 = vector.broadcast %broadcast_in_dim3A_17 : i32 to vector<16xi32>
    %parallel_loop3A = arith.constant 0 : i32
    %parallel_loop3A_19 = arith.constant 2048 : i32
    %parallel_loop3A_20 = arith.constant 1 : i32
    scf.for %parallel_loop3A_22 = %parallel_loop3A to %parallel_loop3A_19 step %parallel_loop3A_20  : i32 {
      %parallel_loop3A_23 = arith.constant 16 : i32
      %parallel_loop3A_24 = arith.muli %parallel_loop3A_22, %parallel_loop3A_23 : i32
      %parallel_loop3A_25 = arith.index_cast %parallel_loop3A_24 : i32 to index
      %parallel_loop3A_26 = tpu.vector_load %arg6[%parallel_loop3A_25] {strides = array<i32>} : memref<32768xf32, #tpu.memory_space<vmem>>, vector<16xf32>,
      %parallel_loop3A_27 = arith.index_cast %parallel_loop3A_24 : i32 to index
      %parallel_loop3A_28 = tpu.vector_load %arg7[%parallel_loop3A_27] {strides = array<i32>} : memref<32768xi32, #tpu.memory_space<vmem>>, vector<16xi32>,
      %parallel_loop3A_29 = arith.constant 5.000000e+01 : f32
      %parallel_loop3A_30 = vector.broadcast %parallel_loop3A_29 : f32 to vector<16xf32>
      %parallel_loop3A_31 = arith.mulf %parallel_loop3A_26, %parallel_loop3A_30 : vector<16xf32>
      %parallel_loop3A_32 = arith.fptosi %parallel_loop3A_31 : vector<16xf32> to vector<16xi32>
      %parallel_loop3A_33 = arith.constant 1 : i32
      %parallel_loop3A_34 = vector.broadcast %parallel_loop3A_33 : i32 to vector<16xi32>
      %parallel_loop3A_35 = arith.addi %parallel_loop3A_32, %parallel_loop3A_34 : vector<16xi32>
      %parallel_loop3A_36 = tpu.vector_load_idx %arg8[%parallel_loop3A_35] : memref<64xf32, #tpu.memory_space<vmem>>[vector<16xi32>], vector<16xf32>,
      %parallel_loop3A_37 = arith.constant 2 : i32
      %parallel_loop3A_38 = vector.broadcast %parallel_loop3A_37 : i32 to vector<16xi32>
      %parallel_loop3A_39 = arith.addi %parallel_loop3A_32, %parallel_loop3A_38 : vector<16xi32>
      %parallel_loop3A_40 = tpu.vector_load_idx %arg8[%parallel_loop3A_39] : memref<64xf32, #tpu.memory_space<vmem>>[vector<16xi32>], vector<16xf32>,
      %parallel_loop3A_41 = arith.cmpf ogt, %parallel_loop3A_26, %parallel_loop3A_36 : vector<16xf32>
      %parallel_loop3A_42 = arith.constant 1 : i32
      %parallel_loop3A_43 = arith.constant 0 : i32
      %parallel_loop3A_44 = vector.broadcast %parallel_loop3A_42 : i32 to vector<16xi32>
      %parallel_loop3A_45 = vector.broadcast %parallel_loop3A_43 : i32 to vector<16xi32>
      %parallel_loop3A_46 = arith.select %parallel_loop3A_41, %parallel_loop3A_44, %parallel_loop3A_45 : vector<16xi1>, vector<16xi32>
      %parallel_loop3A_47 = arith.addi %parallel_loop3A_32, %parallel_loop3A_46 : vector<16xi32>
      %parallel_loop3A_48 = arith.cmpf ogt, %parallel_loop3A_26, %parallel_loop3A_40 : vector<16xf32>
      %parallel_loop3A_49 = arith.constant 1 : i32
      %parallel_loop3A_50 = arith.constant 0 : i32
      %parallel_loop3A_51 = vector.broadcast %parallel_loop3A_49 : i32 to vector<16xi32>
      %parallel_loop3A_52 = vector.broadcast %parallel_loop3A_50 : i32 to vector<16xi32>
      %parallel_loop3A_53 = arith.select %parallel_loop3A_48, %parallel_loop3A_51, %parallel_loop3A_52 : vector<16xi1>, vector<16xi32>
      %parallel_loop3A_54 = arith.addi %parallel_loop3A_47, %parallel_loop3A_53 : vector<16xi32>
      %parallel_loop3A_55 = arith.constant 4 : i32
      %parallel_loop3A_56 = vector.broadcast %parallel_loop3A_55 : i32 to vector<16xi32>
      %parallel_loop3A_57 = arith.shli %parallel_loop3A_28, %parallel_loop3A_56 : vector<16xi32>
      %parallel_loop3A_58 = arith.addi %parallel_loop3A_57, %iota3A : vector<16xi32>
      %parallel_loop3A_59 = arith.addi %parallel_loop3A_54, %broadcast_in_dim3A_18 : vector<16xi32>
      tpu.vector_store_idx %arg9[%parallel_loop3A_58], %parallel_loop3A_59 {add = true} : memref<64xi32, #tpu.memory_space<vmem>>[vector<16xi32>], vector<16xi32>,
    } {sc.loop_unroll_factor = 8 : i64, sc.parallel_access}
    %barrier3A_21 = arith.constant 0 : index
    tpu.barrier barrier_id(%barrier3A_21)
    "tpu.region"() ({
      %run_scoped3A = tpu.sem_alloc : memref<!tpu.dma_semaphore, #tpu.memory_space<semaphore_mem>>
      %dma_start3A_22 = arith.constant 0 : i32
      %dma_start3A_23 = tpu.memref_slice %arg5[%add3A, %dma_start3A_22] : memref<32x64xi32, #tpu.memory_space<hbm>> -> memref<1x64xi32, #tpu.memory_space<hbm>>
      %dma_start3A_24 = tpu.memref_squeeze %dma_start3A_23 : memref<1x64xi32, #tpu.memory_space<hbm>> -> memref<64xi32, #tpu.memory_space<hbm>>
      %dma_start3A_25 = arith.constant 0 : i32
      %dma_start3A_26 = tpu.memref_slice %arg5[%add3A, %dma_start3A_25] : memref<32x64xi32, #tpu.memory_space<hbm>> -> memref<1x64xi32, #tpu.memory_space<hbm>>
      %dma_start3A_27 = tpu.memref_squeeze %dma_start3A_26 : memref<1x64xi32, #tpu.memory_space<hbm>> -> memref<64xi32, #tpu.memory_space<hbm>>
      tpu.enqueue_dma source(%arg9 : memref<64xi32, #tpu.memory_space<vmem>>) target(%dma_start3A_27 : memref<64xi32, #tpu.memory_space<hbm>>) target_semaphore(%run_scoped3A : memref<!tpu.dma_semaphore, #tpu.memory_space<semaphore_mem>>)
      %dma_wait3A_28 = arith.constant 0 : i32
      %dma_wait3A_29 = tpu.memref_slice %arg5[%add3A, %dma_wait3A_28] : memref<32x64xi32, #tpu.memory_space<hbm>> -> memref<1x64xi32, #tpu.memory_space<hbm>>
      %dma_wait3A_30 = tpu.memref_squeeze %dma_wait3A_29 : memref<1x64xi32, #tpu.memory_space<hbm>> -> memref<64xi32, #tpu.memory_space<hbm>>
      %dma_wait3A_31 = arith.constant 0 : i32
      %dma_wait3A_32 = tpu.memref_slice %arg5[%add3A, %dma_wait3A_31] : memref<32x64xi32, #tpu.memory_space<hbm>> -> memref<1x64xi32, #tpu.memory_space<hbm>>
      %dma_wait3A_33 = tpu.memref_squeeze %dma_wait3A_32 : memref<1x64xi32, #tpu.memory_space<hbm>> -> memref<64xi32, #tpu.memory_space<hbm>>
      tpu.wait_dma2 semaphore(%run_scoped3A : memref<!tpu.dma_semaphore, #tpu.memory_space<semaphore_mem>>) src(%arg9 : memref<64xi32, #tpu.memory_space<vmem>>) dst(%dma_wait3A_33 : memref<64xi32, #tpu.memory_space<hbm>>)
      tpu.yield
    }) : () -> ()
    return
  }
}

</mosaic_0001>

<sc_bundles>
// kernel: kernel.3.cloned.1.call-start
scs
__scs_entry_jumppad:
0x0: {  	(pc) =	sbr.rel $0x88, $3  }
0x1: {  	(tag) =	ssettag $0x0;
	lr =	simm.s32 $0x1  }
0x2: {  	[smem:$0x3F9F] =	sst lr;
	_ =	strace $0xD0000000  }
0x3: {  	_ = 	snop  }
0x4: {  	_ = 	snop  }
0x5: {  	_ = 	snop  }
0x6: {  	_ = 	snop  }
0x7: {  	_ = 	snop  }
__scs_overlays_trampoline_lowered:
0x8: {  	[smem:$0x3FAE] =	sst s0  }
0x9: {  	[smem:$0x3FAF] =	sst s1  }
0xa: {  	[smem:$0x3FB0] =	sst s2  }
0xb: {  	[smem:$0x3FB1] =	sst s3  }
0xc: {  	[smem:$0x3FB2] =	sst s4  }
0xd: {  	[smem:$0x3FB3] =	sst s5  }
0xe: {  	[smem:$0x3FB4] =	sst s6  }
0xf: {  	[smem:$0x3FB5] =	sst s7  }
0x10: {  	[smem:$0x3FB6] =	sst s8  }
0x11: {  	[smem:$0x3FB7] =	sst s9;
	s0 =	simm.s32 @!p0 $0x0  }
0x12: {  	s1 =	sld [smem:$0x3F9D];
	s0 =	simm.s32 @p0 $0x1  }
0x13: {  	[smem:$0x3FB8] =	sst s0;
	s0 =	simm.s32 @!p1 $0x0  }
0x14: {  	s2 =	sld [smem:$0x3F9C];
	s0 =	simm.s32 @p1 $0x1  }
0x15: {  	[smem:$0x3FB9] =	sst s0;
	s0 =	simm.s32 @!p2 $0x0  }
0x16: {  	s3 =	sld [smem:$0x3FDB];
	s0 =	simm.s32 @p2 $0x1  }
0x17: {  	s4 =	simm.s32 $0x1BF5;
	[smem:$0x3FBB] =	sst s0  }
0x18: {  	s0 =	sld [smem:$0x3F9E];
	_ =	swait.ge [sflag:s4], $0x0  }
0x19: {  	s7 =	sld [smem:$0x3F9F]  }
0x1a: {  	s8 =	sadd.s32 $0xFFFFE003, lr  }
0x1b: {  	s9 =	sadd.s32 $0xFFFFFEF7, lr;
	s5 =	simm.s32 $0xFFFFFFFF;
	p2 =	slt.u32 s8, $0xFFFFF086  }
0x1c: {  	p1 =	slt.u32 s9, $0xF7A;
	s5 =	simm.s32 @!p2 $0x0  }
0x1d: {  	s5 =	simm.s32 @p1 $0x1;
	p0 =	seq.s32 s7, s2  }
0x1e: {  	s7 =	smul.u32 @!p0 $0xF7A, s2;
	p2 =	seq.s32 @!p0 s5, $0x0  }
0x1f: {  	s9 =	smul.u32 $0xF7A, s1;
	s8 =	simm.s32 @!p0 $0x1BF5;
	p2 =	por !p2, p0  }
0x20: {  	[sflag:s8] =	ssyncset.s32 @!p0 $0xFFFFF086;
	s6 =	sadd.s32 @!p0 s3, s7;
	s7 =	simm.s32 @!p0 $0x108  }
0x21: {  	s3 =	sadd.s32 s3, s9;
	s6 =	sadd.s32 @!p0 $0x88, s6;
	s7 =	simm.s32 @p2 $0x1082  }
0x22: {  	[simem:s7], [sflag:s8] =	dma.local @!p0 [hbm:s6], $0xF7A  }
0x23: {  	s9 =	sor.u32 $0xD0000000, s2;
	s6 =	simm.s32 $0x108;
	_ =	swait.ge @!p0 [sflag:s8], $0x0  }
0x24: {  	s3 =	sadd.s32 $0x88, s3;
	s6 =	simm.s32 @!p1 $0x1082;
	[sflag:s4] =	ssyncset.s32 $0xFFFFF086  }
0x25: {  	[simem:s6], [sflag:s4] =	dma.local [hbm:s3], $0xF7A  }
0x26: {  	[smem:$0x3F9F] =	sst s1;
	(tag) =	ssettag s2;
	_ =	strace s9  }
0x27: {  	s1 =	sld [smem:$0x3FAF]  }
0x28: {  	s2 =	sld [smem:$0x3FB0]  }
0x29: {  	s4 =	sld [smem:$0x3FB2]  }
0x2a: {  	p0 =	seq.s32 s5, $0x0;
	s5 =	sld [smem:$0x3FB3]  }
0x2b: {  	s6 =	sld [smem:$0x3FB4]  }
0x2c: {  	s7 =	sld [smem:$0x3FB5]  }
0x2d: {  	s3 =	simm.s32 $0x108;
	s8 =	sld [smem:$0x3FB6]  }
0x2e: {  	s3 =	simm.s32 @!p0 $0x1082;
	s9 =	sld [smem:$0x3FB7]  }
0x2f: {  	lr =	sadd.s32 s0, s3;
	s0 =	sld [smem:$0x3FAE]  }
0x30: {  	s3 =	sld [smem:$0x3FB1]  }
0x31: {  	[smem:$0x3FBA] =	sst s10  }
0x32: {  	s10 =	sld [smem:$0x3FB8];
	_ =	sdelay $0x3  }
0x33: {  	p0 =	seq.s32 s10, $0x1;
	s10 =	sld [smem:$0x3FBA];
	_ =	sdelay $0x3  }
0x34: {  	[smem:$0x3FBA] =	sst s10  }
0x35: {  	s10 =	sld [smem:$0x3FB9];
	_ =	sdelay $0x3  }
0x36: {  	p1 =	seq.s32 s10, $0x1;
	s10 =	sld [smem:$0x3FBA];
	_ =	sdelay $0x3  }
0x37: {  	[smem:$0x3FBA] =	sst s10  }
0x38: {  	s10 =	sld [smem:$0x3FBB]  }
0x39: {  	_ = 	snop;
	(pc) =	sbr.ind lr, $3  }
0x3a: {  	_ = 	snop  }
0x3b: {  	_ = 	snop  }
0x3c: {  	p2 =	seq.s32 s10, $0x1;
	s10 =	sld [smem:$0x3FBA]  }
0x3d: {  	_ =	shalt  }
0x3e: {  	_ =	shalt  }
0x3f: {  	_ =	shalt  }
0x40: {  	_ =	shalt  }
0x41: {  	_ =	shalt  }
0x42: {  	_ =	shalt  }
0x43: {  	_ =	shalt  }
0x44: {  	_ =	shalt  }
0x45: {  	_ =	shalt  }
0x46: {  	_ =	shalt  }
0x47: {  	_ =	shalt  }
0x48: {  	_ =	shalt  }
0x49: {  	_ =	shalt  }
0x4a: {  	_ =	shalt  }
0x4b: {  	_ =	shalt  }
0x4c: {  	_ =	shalt  }
0x4d: {  	_ =	shalt  }
0x4e: {  	_ =	shalt  }
0x4f: {  	_ =	shalt  }
0x50: {  	_ =	shalt  }
0x51: {  	_ =	shalt  }
0x52: {  	_ =	shalt  }
0x53: {  	_ =	shalt  }
0x54: {  	_ =	shalt  }
0x55: {  	_ =	shalt  }
0x56: {  	_ =	shalt  }
0x57: {  	_ =	shalt  }
0x58: {  	_ =	shalt  }
0x59: {  	_ =	shalt  }
0x5a: {  	_ =	shalt  }
0x5b: {  	_ =	shalt  }
0x5c: {  	_ =	shalt  }
0x5d: {  	_ =	shalt  }
0x5e: {  	_ =	shalt  }
0x5f: {  	_ =	shalt  }
0x60: {  	_ =	shalt  }
0x61: {  	_ =	shalt  }
0x62: {  	_ =	shalt  }
0x63: {  	_ =	shalt  }
0x64: {  	_ =	shalt  }
0x65: {  	_ =	shalt  }
0x66: {  	_ =	shalt  }
0x67: {  	_ =	shalt  }
0x68: {  	_ =	shalt  }
0x69: {  	_ =	shalt  }
0x6a: {  	_ =	shalt  }
0x6b: {  	_ =	shalt  }
0x6c: {  	_ =	shalt  }
0x6d: {  	_ =	shalt  }
0x6e: {  	_ =	shalt  }
0x6f: {  	_ =	shalt  }
0x70: {  	_ =	shalt  }
0x71: {  	_ =	shalt  }
0x72: {  	_ =	shalt  }
0x73: {  	_ =	shalt  }
0x74: {  	_ =	shalt  }
0x75: {  	_ =	shalt  }
0x76: {  	_ =	shalt  }
0x77: {  	_ =	shalt  }
0x78: {  	_ =	shalt  }
0x79: {  	_ =	shalt  }
0x7a: {  	_ =	shalt  }
0x7b: {  	_ =	shalt  }
0x7c: {  	_ =	shalt  }
0x7d: {  	_ =	shalt  }
0x7e: {  	_ =	shalt  }
0x7f: {  	_ =	shalt  }
0x80: {  	_ =	shalt  }
0x81: {  	_ =	shalt  }
0x82: {  	_ =	shalt  }
0x83: {  	_ =	shalt  }
0x84: {  	_ =	shalt  }
0x85: {  	_ =	shalt  }
0x86: {  	_ =	shalt  }
0x87: {  	_ =	shalt  }
.Lfunc_end0:
.L_simem_size_0:
called_computation_lowered:
.L_overlay_start_0:
0x88: {  	s2 =	sld [smem:$0x3FD9]  }
0x89: {  	s3 =	sld [smem:$0x3FFE];
	_ =	sdelay $0x1  }
0x8a: {  	s1 =	srdreg.scid  }
0x8b: {  	s0 =	sand.u32 $0x1, s1  }
0x8c: {  	s14 =	sshll.u32 s0, $0xA;
	s2 =	sadd.s32 s3, s2  }
0x8d: {  	s2 =	sadd.s32 s2, s14  }
0x8e: {  	[smem:$0x3FC6] =	sst s2  }
0x8f: {  	_ = 	snop  }
0x90: {  	s2 =	sld [smem:$0x3FD0];
	_ =	sdelay $0x1  }
0x91: {  	s15 =	sld [smem:$0x3FC9]  }
0x92: {  	s5 =	simm.s32 $0xA;
	s6 =	simm.s32 $0x10;
	s4 =	sld [smem:$0x3FC8]  }
0x93: {  	[smem:s6], [sflag:s5] =	dma.local [hbm:s2], $0x1  }
0x94: {  	_ =	swait.eq [sflag:s5], $0x1  }
0x95: {  	[sflag:s5] =	ssyncset.done $0x0  }
0x96: {  	[sflag:s5] =	ssyncadd.s32 $0xFFFFFFFF  }
0x97: {  	s16 =	sld [smem:$0x10];
	(tm) =	ssettm $0x1  }
0x98: {  	s17 =	sld [smem:$0x3FFB];
	_ =	sdelay $0x3  }
0x99: {  	_ =	strace s17  }
0x9a: {  	s5 =	sld [smem:$0x3FFC];
	_ =	sdelay $0x3  }
0x9b: {  	_ =	strace s5  }
0x9c: {  	s5 =	sld [smem:$0x3FFD];
	_ =	sdelay $0x3  }
0x9d: {  	_ =	strace s5  }
0x9e: {  	_ =	strace $0x8FFFFFFF  }
0x9f: {  	s18 =	sld [smem:$0x3FDB];
	_ =	sdelay $0x1  }
0xa0: {  	s19 =	simm.s32 $_scs_section_size  }
0xa1: {  	s7 =	simm.s32 $_size__tile_overlayer_lowered;
	s8 =	simm.s32 $_tile_overlayer_lowered  }
0xa2: {  	s22 =	simm.s32 $0x1BFF;
	s21 =	sshll.u32 s8, $0x1;
	s5 =	sadd.s32 s19, s18  }
0xa3: {  	s9 =	simm.s32 $0x0;
	s20 =	sshll.u32 s7, $0x1;
	s7 =	sadd.s32 s21, s5  }
0xa4: {  	[timem:s9], [sflag:s22] =	dma.local [hbm:s7], s20  }
0xa5: {  	_ =	swait.ge [sflag:s22], s20  }
0xa6: {  	s6 =	ssub.s32 $0x0, s20;
	[sflag:s22] =	ssyncset.done $0x0  }
0xa7: {  	[sflag:s22] =	ssyncadd.s32 s6;
	_ =	sdelay $0x1  }
0xa8: {  	s23 =	simm.s32 $0x1B8B  }
0xa9: {  	_ =	swait.ge [sflag:s23], $0x1  }
0xaa: {  	[sflag:s23] =	ssyncset.done $0x0  }
0xab: {  	s25 =	simm.s32 $0x1B8E;
	s24 =	sld [smem:$0x3FFE];
	[sflag:s23] =	ssyncadd.s32 $0xFFFFFFFF  }
0xac: {  	s26 =	simm.s32 $execute0_lowered;
	[smem:$0x3FD2] =	sst s25  }
0xad: {  	s7 =	sshll.u32 s26, $0x1;
	_ =	strace $0x80000046;
	[dreg:$0x1] =	wrdreg $0xFFFFFFFF  }
0xae: {  	s28 =	simm.s32 $_size_execute0_lowered;
	s5 =	sadd.s32 s5, s7;
	[dreg:$0x0] =	wrdreg $0x0  }
0xaf: {  	s7 =	sshll.u32 s28, $0x1;
	[dreg:$0x2] =	wrdreg s5  }
0xb0: {  	[dreg:$0x3] =	wrdreg s7  }
0xb1: {  	[dreg:$0x4] =	wrdreg $0xC0  }
0xb2: {  	_ =	task [dreg:s9], $0x5FFFF  }
0xb3: {  	[dreg:$0x1] =	wrdreg $0xFFFFFFFF  }
0xb4: {  	[dreg:$0x0] =	wrdreg $0x60  }
0xb5: {  	[dreg:$0x2] =	wrdreg s15  }
0xb6: {  	[dreg:$0x3] =	wrdreg s4  }
0xb7: {  	[dreg:$0x4] =	wrdreg s16  }
0xb8: {  	[dreg:$0x5] =	wrdreg s24  }
0xb9: {  	[dreg:$0x6] =	wrdreg $0x9  }
0xba: {  	_ =	task.clear_ibuf [dreg:s9], $0x7FFFF;
	_ =	strace $0x90000046  }
0xbb: {  	s29 =	simm.s32 $0x9;
	_ =	strace $0x80000048  }
0xbc: {  	_ =	swait.ge [sflag:s29], $0x1  }
0xbd: {  	[sflag:s29] =	ssyncadd.s32 $0xFFFFFFFF  }
0xbe: {  	_ =	strace $0x90000048  }
0xbf: {  	_ =	sfence  }
0xc0: {  	s30 =	sld [smem:$0x0];
	_ =	sdelay $0x2  }
0xc1: {  	s31 =	sshll.u32 s1, $0xD;
	s1 =	sshrl.u32 s1, $0x2  }
0xc2: {  	s3 =	sand.u32 $0x4000, s31;
	s1 =	sadd.s32 s1, s30  }
0xc3: {  	s0 =	sor.u32 s3, s0;
	s1 =	sshll.u32 s1, $0x11  }
0xc4: {  	s0 =	sor.u32 s1, s0  }
0xc5: {  	s0 =	sadd.s32 $0x8F2B, s0  }
0xc6: {  	[sflag:s0] =	ssyncadd.remote.s32 $0x1  }
0xc7: {  	_ =	sfence.sel $0xFFFF  }
0xc8: {  	[dreg:$0x0] =	wrdreg $0xFFFFFFFF;
	(pc) =	sbr.abs _section_cstart, $3  }
0xc9: {  	[dreg:$0x1] =	wrdreg $0xFFFFFFFF  }
0xca: {  	_ =	task.clear_ibuf [dreg:s9], $0x2FFFF;
	_ =	strace $0x9FFFFFFF  }
0xcb: {  	(tm) =	ssettm $0x7FFFFFFF  }
tec
execute0_lowered:
.L_overlay_start_1:
0x0: {  	(tag) =	ssettag $0x1  }
0x1: {  	s4 =	rddreg [dreg:$0x0]  }
0x2: {  	s5 =	rddreg [dreg:$0x1]  }
0x3: {  	s2 =	rddreg [dreg:$0x2]  }
0x4: {  	s6 =	rddreg [dreg:$0x3];
	s3 =	srdreg.scid  }
0x5: {  	s0 =	rddreg [dreg:$0x4];
	s1 =	stileid.u32;
	s11 =	simm.s32 $0x1  }
0x6: {  	s12 =	simm.s32 $0x2;
	s13 =	simm.s32 $0x10080;
	s14 =	simm.s32 $0x0  }
0x7: {  	s7 =	sand.u32 $0x1, s3;
	s3 =	simm.s32 $0x0;
	s9 =	sshll.u32 s1, $0x1  }
0x8: {  	s8 =	ssub.s32 $0x2, s7;
	[smem:$0x7FF] =	sst s3;
	s7 =	sor.u32 s7, s9  }
0x9: {  	s10 =	sshrl.u32 s8, $0x1;
	_ =	strace $0x80000047;
	s9 =	sshll.u32 s7, $0xC  }
0xa: {  	s7 =	sshll.u32 s7, $0x4;
	s8 =	ssub.s32 s8, s10;
	s4 =	sadd.s32 s4, s9  }
0xb: {  	s5 =	sadd.s32 s5, s9;
	s6 =	sadd.s32 s6, s7;
	s9 =	simm.s32 $0x10000  }
0xc: {  	v0 =	vimm.s32 $0x0;
	v1 =	vlaneseq.u32;
	s10 =	simm.s32 $0x3;
	s7 =	smax.u32 s8, $0x1;
	s8 =	simm.s32 $0x8000  }
.LBB2_1:
0xd: {  	[tilespmem:s3], [sflag:$0x1] =	stream.linear.gather [hbm4b:s4+s3], $0x8000, $0x38;
	[tilespmem:$0x10100] =	vst v63  }
0xe: {  	_ = 	snop  }
0xf: {  	[tilespmem:s8], [sflag:$0x2] =	stream.linear.gather [hbm4b:s5+s3], $0x8000, $0x38;
	[tilespmem:$0x10100] =	vst v63  }
0x10: {  	_ = 	snop  }
0x11: {  	[tilespmem:s9], [sflag:$0x3] =	stream.linear.gather [hbm4b:s2+s3], $0x80, $0x38;
	[tilespmem:$0x10100] =	vst v63  }
0x12: {  	_ =	swait.ge [sflag:s10], $0x80  }
0x13: {  	[sflag:s10] =	ssyncset.done $0x0  }
0x14: {  	[sflag:s10] =	ssyncadd.s32 $0xFFFFFF80  }
0x15: {  	[tilespmem:$0x10080] =	vst v0  }
0x16: {  	[tilespmem:$0x10090] =	vst v0  }
0x17: {  	[tilespmem:$0x100A0] =	vst v0  }
0x18: {  	[tilespmem:$0x100B0] =	vst v0  }
0x19: {  	_ =	swait.ge [sflag:s11], $0x8000  }
0x1a: {  	[sflag:s11] =	ssyncset.done $0x0  }
0x1b: {  	[sflag:s11] =	ssyncadd.s32 $0xFFFF8000  }
0x1c: {  	_ =	swait.ge [sflag:s12], $0x8000  }
0x1d: {  	[sflag:s12] =	ssyncset.done $0x0  }
0x1e: {  	[sflag:s12] =	ssyncadd.s32 $0xFFFF8000  }
0x1f: {  	s15 =	simm.s32 $0x40;
	[bflag:$0x0] =	sbarrier.arrive $0xFFFF  }
0x20: {  	v4 =	vld [tilespmem:s15+$0x30]  }
0x21: {  	v8 =	vld [tilespmem:s15+$0xFFFFFFD0]  }
0x22: {  	v9 =	vld [tilespmem:s15+$0xFFFFFFE0]  }
0x23: {  	v10 =	vld [tilespmem:s15+$0xFFFFFFF0]  }
0x24: {  	v11 =	vld [tilespmem:s15+$0x0]  }
0x25: {  	v12 =	vld [tilespmem:s15+$0xFFFFFFC0]  }
0x26: {  	v3 =	vld [tilespmem:s15+$0x10]  }
0x27: {  	v2 =	vld [tilespmem:s15+$0x20];
	v5 =	vmul.f32 $5.000000000e+01, v4  }
0x28: {  	v6 =	vmul.f32 $5.000000000e+01, v8;
	v7 =	vmul.f32 $5.000000000e+01, v9  }
0x29: {  	v13 =	vmul.f32 $5.000000000e+01, v10;
	v5 =	vtrunc.f32 v5  }
0x2a: {  	v19 =	vmul.f32 $5.000000000e+01, v12;
	v5 =	vcvt.f32.s32 v5  }
0x2b: {  	v14 =	vmul.f32 $5.000000000e+01, v11;
	v16 =	vmul.f32 $5.000000000e+01, v3  }
0x2c: {  	v18 =	vmul.f32 $5.000000000e+01, v2;
	v19 =	vtrunc.f32 v19;
	v15 =	vadd.s32 $0x1, v5  }
0x2d: {  	s15 =	simm.s32 $0x8040;
	v6 =	vtrunc.f32 v6;
	v19 =	vcvt.f32.s32 v19;
	v17 =	vadd.s32 $0x2, v5  }
0x2e: {  	v22 =	vld [tilespmem:s15+$0xFFFFFFC0];
	v7 =	vtrunc.f32 v7;
	v13 =	vtrunc.f32 v13  }
0x2f: {  	v29 =	vld [tilespmem:s15+$0xFFFFFFE0];
	v14 =	vtrunc.f32 v14;
	v16 =	vtrunc.f32 v16;
	v23 =	vadd.s32 $0x1, v19  }
0x30: {  	v18 =	vtrunc.f32 v18;
	v20 =	vcvt.f32.s32 v6;
	v6 =	vld [tilespmem:s15+$0x30]  }
0x31: {  	v21 =	vcvt.f32.s32 v7;
	v13 =	vcvt.f32.s32 v13;
	v28 =	vadd.s32 $0x2, v19;
	v15 =	vld.idx.msk [tilespmem:v15+s9+$0x0], $0xffff  }
0x32: {  	v14 =	vcvt.f32.s32 v14;
	v16 =	vcvt.f32.s32 v16;
	v7 =	vadd.s32 $0x1, v20;
	v17 =	vld.idx.msk [tilespmem:v17+s9+$0x0], $0xffff  }
0x33: {  	v33 =	vld [tilespmem:s15+$0xFFFFFFF0];
	v24 =	vcvt.f32.s32 v18;
	v25 =	vadd.s32 $0x1, v21  }
0x34: {  	v26 =	vadd.s32 $0x1, v13;
	v27 =	vadd.s32 $0x1, v14;
	v30 =	vadd.s32 $0x1, v16;
	v23 =	vld.idx.msk [tilespmem:v23+s9+$0x0], $0xffff  }
0x35: {  	v18 =	vld [tilespmem:s15+$0xFFFFFFD0];
	v31 =	vadd.s32 $0x1, v24;
	v32 =	vadd.s32 $0x2, v20;
	v6 =	vshll.u32 v6, $0x4  }
0x36: {  	v34 =	vadd.s32 $0x2, v21;
	v28 =	vld.idx.msk [tilespmem:v28+s9+$0x0], $0xffff;
	vm0 =	vgt.f32 v4, v15;
	v15 =	vor.u32 v1, v6  }
0x37: {  	v36 =	vadd.s32 $0x2, v13;
	v35 =	vld.idx.msk [tilespmem:v7+s9+$0x0], $0xffff;
	v6 =	vsel vm0, $0x1, v0;
	vm0 =	vgt.f32 v4, v17  }
0x38: {  	v37 =	vadd.s32 $0x2, v14;
	v17 =	vld.idx.msk [tilespmem:v25+s9+$0x0], $0xffff;
	v4 =	vsel vm0, $0x1, v0;
	v5 =	vadd.s32 v6, v5  }
0x39: {  	vm1 =	vgt.f32 v12, v23;
	v6 =	vshll.u32 v22, $0x4;
	v22 =	vld.idx.msk [tilespmem:v26+s9+$0x0], $0xffff;
	v4 =	vadd.s32 v4, v5  }
0x3a: {  	v25 =	vadd.s32 $0x2, v16;
	v5 =	vshll.u32 v18, $0x4;
	v18 =	vld.idx.msk [tilespmem:v27+s9+$0x0], $0xffff;
	v4 =	vadd.s32 $0x40000, v4  }
0x3b: {  	v58 =	vsel vm1, $0x1, v0;
	vm1 =	vgt.f32 v12, v28;
	v26 =	vadd.s32 $0x2, v24;
	[tilespmem:v15+s13+$0x0] =	vst.idx.add.s32.msk $0xffff, v4  }
0x3c: {  	vm0 =	vgt.f32 v8, v35;
	v27 =	vshll.u32 v29, $0x4;
	v7 =	vor.u32 v1, v6;
	v15 =	vld.idx.msk [tilespmem:v30+s9+$0x0], $0xffff  }
0x3d: {  	v23 =	vsel vm0, $0x1, v0;
	v6 =	vor.u32 v1, v5;
	v5 =	vor.u32 v1, v27;
	v27 =	vld.idx.msk [tilespmem:v31+s9+$0x0], $0xffff  }
0x3e: {  	v59 =	vld.idx.msk [tilespmem:v32+s9+$0x0], $0xffff;
	v23 =	vadd.s32 v23, v20;
	v20 =	vadd.s32 v58, v19;
	vm0 =	vgt.f32 v9, v17  }
0x3f: {  	v60 =	vld.idx.msk [tilespmem:v34+s9+$0x0], $0xffff;
	v4 =	vshll.u32 v33, $0x4;
	v17 =	vsel vm0, $0x1, v0;
	vm0 =	vgt.f32 v10, v22  }
0x40: {  	v62 =	vld.idx.msk [tilespmem:v36+s9+$0x0], $0xffff;
	v61 =	vadd.s32 v17, v21;
	v17 =	vsel vm0, $0x1, v0;
	vm0 =	vgt.f32 v11, v18  }
0x41: {  	v63 =	vld.idx.msk [tilespmem:v37+s9+$0x0], $0xffff;
	v17 =	vadd.s32 v17, v13;
	v13 =	vsel vm0, $0x1, v0;
	vm0 =	vgt.f32 v3, v15  }
0x42: {  	v19 =	vld.idx.msk [tilespmem:v25+s9+$0x0], $0xffff;
	v15 =	vadd.s32 v13, v14;
	v13 =	vsel vm0, $0x1, v0;
	vm0 =	vgt.f32 v2, v27  }
0x43: {  	v4 =	vor.u32 v1, v4;
	v25 =	vld [tilespmem:s15+$0x20];
	v14 =	vadd.s32 v13, v16;
	v12 =	vsel vm0, $0x1, v0  }
0x44: {  	v18 =	vld.idx.msk [tilespmem:v26+s9+$0x0], $0xffff;
	v13 =	vsel vm1, $0x1, v0;
	vm0 =	vgt.f32 v8, v59;
	v16 =	vadd.s32 v12, v24  }
0x45: {  	v22 =	vld [tilespmem:s15+$0x0];
	v20 =	vadd.s32 v13, v20;
	v8 =	vsel vm0, $0x1, v0;
	vm0 =	vgt.f32 v9, v60  }
0x46: {  	v24 =	vld [tilespmem:s15+$0x10];
	v21 =	vadd.s32 v8, v23;
	v8 =	vsel vm0, $0x1, v0;
	vm0 =	vgt.f32 v10, v62  }
0x47: {  	s16 =	simm.s32 $0x0;
	s17 =	simm.s32 $0xC0;
	v23 =	vadd.s32 v8, v61;
	v8 =	vsel vm0, $0x1, v0;
	vm0 =	vgt.f32 v11, v63  }
.LBB2_2:
0x48: {  	v26 =	vld [tilespmem:s17+$0x30];
	s16 =	sadd.s32 $0x8, s16;
	v12 =	vadd.s32 v8, v17;
	v9 =	vsel vm0, $0x1, v0;
	vm0 =	vgt.f32 v3, v19  }
0x49: {  	v8 =	vld [tilespmem:s17+$0xFFFFFFD0];
	p0 =	slt.u32 s16, $0x7F8;
	v13 =	vadd.s32 v9, v15;
	v3 =	vsel vm0, $0x1, v0;
	vm0 =	vgt.f32 v2, v18  }
0x4a: {  	v15 =	vshll.u32 v22, $0x4;
	v9 =	vld [tilespmem:s17+$0xFFFFFFE0];
	v14 =	vadd.s32 v3, v14;
	v2 =	vsel vm0, $0x1, v0  }
0x4b: {  	v17 =	vshll.u32 v24, $0x4;
	v10 =	vld [tilespmem:s17+$0xFFFFFFF0];
	v18 =	vshll.u32 v25, $0x4;
	v16 =	vadd.s32 v2, v16  }
0x4c: {  	v19 =	vadd.s32 $0x40000, v20;
	v20 =	vadd.s32 $0x40000, v21;
	v21 =	vadd.s32 $0x40000, v23;
	v11 =	vld [tilespmem:s17+$0x0]  }
0x4d: {  	v23 =	vadd.s32 $0x40000, v12;
	v24 =	vadd.s32 $0x40000, v13;
	v3 =	vld [tilespmem:s17+$0x10];
	v22 =	vmul.f32 $5.000000000e+01, v26  }
0x4e: {  	v25 =	vadd.s32 $0x40000, v14;
	v12 =	vadd.s32 $0x40000, v16;
	v13 =	vmul.f32 $5.000000000e+01, v8;
	v2 =	vld [tilespmem:s17+$0x20]  }
0x4f: {  	v15 =	vor.u32 v1, v15;
	v14 =	vld [tilespmem:s17+$0xFFFFFFC0];
	v16 =	vmul.f32 $5.000000000e+01, v9;
	v22 =	vtrunc.f32 v22  }
0x50: {  	v27 =	vmul.f32 $5.000000000e+01, v10;
	v22 =	vcvt.f32.s32 v22;
	[tilespmem:v7+s13+$0x0] =	vst.idx.add.s32.msk $0xffff, v19;
	v7 =	vor.u32 v1, v17  }
0x51: {  	v17 =	vtrunc.f32 v13;
	v13 =	vor.u32 v1, v18;
	v19 =	vmul.f32 $5.000000000e+01, v11;
	[tilespmem:v6+s13+$0x0] =	vst.idx.add.s32.msk $0xffff, v20  }
0x52: {  	v6 =	vtrunc.f32 v16;
	v16 =	vmul.f32 $5.000000000e+01, v3;
	v18 =	vadd.s32 $0x1, v22;
	[tilespmem:v5+s13+$0x0] =	vst.idx.add.s32.msk $0xffff, v21  }
0x53: {  	v5 =	vtrunc.f32 v27;
	v21 =	vadd.s32 $0x2, v22;
	v20 =	vmul.f32 $5.000000000e+01, v2;
	[tilespmem:v4+s13+$0x0] =	vst.idx.add.s32.msk $0xffff, v23  }
0x54: {  	v19 =	vtrunc.f32 v19;
	v4 =	vmul.f32 $5.000000000e+01, v14;
	[tilespmem:v15+s13+$0x0] =	vst.idx.add.s32.msk $0xffff, v24  }
0x55: {  	s15 =	sadd.s32 $0x80, s15;
	v15 =	vtrunc.f32 v16;
	v16 =	vtrunc.f32 v20;
	[tilespmem:v7+s13+$0x0] =	vst.idx.add.s32.msk $0xffff, v25  }
0x56: {  	v17 =	vcvt.f32.s32 v17;
	v4 =	vtrunc.f32 v4;
	v7 =	vld [tilespmem:s15+$0x30]  }
0x57: {  	v23 =	vcvt.f32.s32 v6;
	v20 =	vcvt.f32.s32 v4;
	v4 =	vld.idx.msk [tilespmem:v18+s9+$0x0], $0xffff  }
0x58: {  	v6 =	vadd.s32 $0x1, v17;
	v19 =	vcvt.f32.s32 v19;
	v18 =	vcvt.f32.s32 v5;
	v5 =	vld.idx.msk [tilespmem:v21+s9+$0x0], $0xffff  }
0x59: {  	v25 =	vcvt.f32.s32 v15;
	v16 =	vcvt.f32.s32 v16;
	v21 =	vld [tilespmem:s15+$0xFFFFFFC0];
	v24 =	vadd.s32 $0x1, v20  }
0x5a: {  	v27 =	vadd.s32 $0x1, v23;
	v29 =	vadd.s32 $0x1, v19;
	v28 =	vadd.s32 $0x1, v18;
	v15 =	vld [tilespmem:s15+$0xFFFFFFD0]  }
0x5b: {  	v32 =	vadd.s32 $0x1, v25;
	v33 =	vadd.s32 $0x1, v16;
	v30 =	vadd.s32 $0x2, v20;
	v31 =	vld [tilespmem:s15+$0xFFFFFFE0]  }
0x5c: {  	v34 =	vadd.s32 $0x2, v17;
	v35 =	vadd.s32 $0x2, v23;
	v7 =	vshll.u32 v7, $0x4;
	v36 =	vld [tilespmem:s15+$0xFFFFFFF0]  }
0x5d: {  	v38 =	vadd.s32 $0x2, v18;
	vm0 =	vgt.f32 v26, v4;
	v4 =	vor.u32 v1, v7;
	v37 =	vld.idx.msk [tilespmem:v6+s9+$0x0], $0xffff  }
0x5e: {  	v39 =	vadd.s32 $0x2, v19;
	v6 =	vsel vm0, $0x1, v0;
	vm0 =	vgt.f32 v26, v5;
	v24 =	vld.idx.msk [tilespmem:v24+s9+$0x0], $0xffff  }
0x5f: {  	v5 =	vsel vm0, $0x1, v0;
	v6 =	vadd.s32 v6, v22;
	v26 =	vld.idx.msk [tilespmem:v27+s9+$0x0], $0xffff;
	v27 =	vadd.s32 $0x2, v25  }
0x60: {  	v7 =	vshll.u32 v21, $0x4;
	v22 =	vadd.s32 $0x2, v16;
	v5 =	vadd.s32 v5, v6;
	v21 =	vld.idx.msk [tilespmem:v28+s9+$0x0], $0xffff  }
0x61: {  	v6 =	vshll.u32 v15, $0x4;
	v15 =	vshll.u32 v31, $0x4;
	v5 =	vadd.s32 $0x40000, v5;
	v28 =	vld.idx.msk [tilespmem:v29+s9+$0x0], $0xffff  }
0x62: {  	v7 =	vor.u32 v1, v7;
	v6 =	vor.u32 v1, v6;
	v29 =	vshll.u32 v36, $0x4;
	[tilespmem:v4+s13+$0x0] =	vst.idx.add.s32.msk $0xffff, v5  }
0x63: {  	vm0 =	vgt.f32 v8, v37;
	v5 =	vor.u32 v1, v15;
	v4 =	vor.u32 v1, v29;
	v29 =	vld.idx.msk [tilespmem:v32+s9+$0x0], $0xffff  }
0x64: {  	vm1 =	vgt.f32 v14, v24;
	v15 =	vsel vm0, $0x1, v0;
	v24 =	vld.idx.msk [tilespmem:v33+s9+$0x0], $0xffff  }
0x65: {  	v31 =	vsel vm1, $0x1, v0;
	v32 =	vadd.s32 v15, v17;
	vm0 =	vgt.f32 v9, v26;
	v30 =	vld.idx.msk [tilespmem:v30+s9+$0x0], $0xffff  }
0x66: {  	v20 =	vadd.s32 v31, v20;
	v15 =	vsel vm0, $0x1, v0;
	vm0 =	vgt.f32 v10, v21;
	v26 =	vld.idx.msk [tilespmem:v34+s9+$0x0], $0xffff  }
0x67: {  	v23 =	vadd.s32 v15, v23;
	v15 =	vsel vm0, $0x1, v0;
	vm0 =	vgt.f32 v11, v28;
	v21 =	vld.idx.msk [tilespmem:v35+s9+$0x0], $0xffff  }
0x68: {  	v17 =	vadd.s32 v15, v18;
	v15 =	vsel vm0, $0x1, v0;
	v28 =	vld.idx.msk [tilespmem:v38+s9+$0x0], $0xffff  }
0x69: {  	v15 =	vadd.s32 v15, v19;
	vm0 =	vgt.f32 v3, v29;
	v31 =	vld.idx.msk [tilespmem:v39+s9+$0x0], $0xffff  }
0x6a: {  	v18 =	vsel vm0, $0x1, v0;
	vm0 =	vgt.f32 v2, v24;
	v19 =	vld.idx.msk [tilespmem:v27+s9+$0x0], $0xffff  }
.Ltmp0:
0x6b: {  	vm1 =	vgt.f32 v14, v30;
	v14 =	vadd.s32 v18, v25;
	v24 =	vsel vm0, $0x1, v0;
	v18 =	vld.idx.msk [tilespmem:v22+s9+$0x0], $0xffff;
	(pc) =	sbr.rel @p0 .LBB2_2-.Ltmp0, $4  }
0x6c: {  	v25 =	vsel vm1, $0x1, v0;
	vm0 =	vgt.f32 v8, v26;
	v16 =	vadd.s32 v24, v16;
	v22 =	vld [tilespmem:s15+$0x0]  }
0x6d: {  	v20 =	vadd.s32 v25, v20;
	v8 =	vsel vm0, $0x1, v0;
	vm0 =	vgt.f32 v9, v21;
	v24 =	vld [tilespmem:s15+$0x10]  }
0x6e: {  	v21 =	vadd.s32 v8, v32;
	v8 =	vsel vm0, $0x1, v0;
	vm0 =	vgt.f32 v10, v28;
	v25 =	vld [tilespmem:s15+$0x20]  }
0x6f: {  	s17 =	sadd.s32 $0x80, s17;
	v23 =	vadd.s32 v8, v23;
	v8 =	vsel vm0, $0x1, v0;
	vm0 =	vgt.f32 v11, v31;
	[tilespmem:v13+s13+$0x0] =	vst.idx.add.s32.msk $0xffff, v12  }
0x70: {  	_ = 	snop  }
0x71: {  	v8 =	vadd.s32 v8, v17  }
0x72: {  	v9 =	vsel vm0, $0x1, v0;
	vm14 =	vgt.f32 v3, v19;
	v3 =	vshll.u32 v22, $0x4  }
0x73: {  	v11 =	vadd.s32 $0x40000, v20;
	v10 =	vshll.u32 v24, $0x4;
	v3 =	vor.u32 v1, v3  }
0x74: {  	v13 =	vadd.s32 $0x40000, v21;
	[tilespmem:v7+s13+$0x0] =	vst.idx.add.s32.msk $0xffff, v11;
	v12 =	vshll.u32 v25, $0x4;
	v57 =	vor.u32 v1, v10  }
0x75: {  	v58 =	vadd.s32 $0x40000, v23;
	vm15 =	vgt.f32 v2, v18;
	[tilespmem:v6+s13+$0x0] =	vst.idx.add.s32.msk $0xffff, v13;
	v59 =	vor.u32 v1, v12  }
0x76: {  	v9 =	vadd.s32 v9, v15;
	v60 =	vsel vm14, $0x1, v0;
	v2 =	vadd.s32 $0x40000, v8;
	[tilespmem:v5+s13+$0x0] =	vst.idx.add.s32.msk $0xffff, v58  }
0x77: {  	v62 =	vsel vm15, $0x1, v0;
	v61 =	vadd.s32 v60, v14;
	v9 =	vadd.s32 $0x40000, v9;
	[tilespmem:v4+s13+$0x0] =	vst.idx.add.s32.msk $0xffff, v2  }
0x78: {  	v2 =	vadd.s32 v62, v16;
	v63 =	vadd.s32 $0x40000, v61;
	[tilespmem:v3+s13+$0x0] =	vst.idx.add.s32.msk $0xffff, v9  }
0x79: {  	s14 =	sadd.s32 $0x1, s14;
	v2 =	vadd.s32 $0x40000, v2;
	[tilespmem:v57+s13+$0x0] =	vst.idx.add.s32.msk $0xffff, v63  }
0x7a: {  	p0 =	sne.s32 s14, s7;
	[tilespmem:v59+s13+$0x0] =	vst.idx.add.s32.msk $0xffff, v2  }
.Ltmp1:
0x7b: {  	[bflag:$0x0] =	sbarrier.arrive $0xFFFF;
	(pc) =	sbr.rel @p0 .LBB2_1-.Ltmp1, $4  }
0x7c: {  	[hbm4b:s6+s3] =	stream.linear.scatter [tilespmem:s13], [sflag:$0x3], $0x80, $0x38;
	[tilespmem:$0x10100] =	vst v63  }
0x7d: {  	_ =	swait.ge [sflag:s10], $0x80  }
0x7e: {  	[sflag:s10] =	ssyncset.done $0x0  }
0x7f: {  	[sflag:s10] =	ssyncadd.s32 $0xFFFFFF80  }
0x80: {  	_ =	sfence.sel $0x180000  }
0x81: {  	[bflag:$0x0] =	sbarrier.arrive $0xFFFF  }
0x82: {  	p0 =	sne.s32 s1, $0x0;
	_ =	strace $0x90000047  }
0x83: {  	s0 =	sadd.s32 @!p0 $0x100000, s0;
	[bflag:$0x2] =	sbarrier.arrive $0xFFFF  }
0x84: {  	[sflag:s0] =	ssyncadd.tile.s32 @!p0 $0x1;
	_ =	shalt  }
.Lfunc_end2:
_tile_overlayer_lowered:
.L_overlay_start_2:
0x85: {  	(tag) =	ssettag $0x2  }
0x86: {  	s0 =	rddreg [dreg:$0x0];
	s2 =	stileid.u32  }
0x87: {  	s1 =	rddreg [dreg:$0x1];
	p0 =	sne.s32 s2, $0x0  }
0x88: {  	s3 =	rddreg [dreg:$0x2];
	[bflag:$0x3] =	sbarrier.arrive $0xFFFF;
	s2 =	simm.s32 @!p0 $0x1C03  }
0x89: {  	[timem:s3], [sflag:s2] =	dma.local @!p0 [hbm:s0], s1  }
0x8a: {  	s0 =	simm.s32 @!p0 $0x3  }
0x8b: {  	_ =	swait.ge @!p0 [sflag:s0], s1  }
0x8c: {  	s1 =	ssub.s32 @!p0 $0x0, s1;
	[sflag:s0] =	ssyncset.done @!p0 $0x0  }
0x8d: {  	[sflag:s0] =	ssyncadd.s32 @!p0 s1  }
0x8e: {  	[bflag:$0x3] =	sbarrier.arrive $0xFFFF  }
0x8f: {  	_ =	shalt  }

</sc_bundles>
